<compile_context>
chip_gen: v7x
topology: tpu7x:2x2x1
jax: 0.10.2.dev20260603
libtpu: 0.0.44.dev20260713+nightly
codegen_flags: <defaults>
</compile_context>

<pallas_src>
import functools

import jax
import jax.numpy as jnp
from jax import lax
from jax.experimental import pallas as pl
from jax.experimental.pallas import tpu as pltpu
from jax.experimental.pallas import tpu_sc as plsc

NC = 2
NS = 16
LANES = 16
CHUNK = 80
ZROWS = 200


def _lane_broadcast(vec, i):
    idx = jnp.full((LANES,), i, jnp.int32)
    dnums = lax.GatherDimensionNumbers(
        offset_dims=(), collapsed_slice_dims=(0,), start_index_map=(0,))
    return lax.gather(vec, idx[:, None], dnums, (1,),
                      mode=lax.GatherScatterMode.PROMISE_IN_BOUNDS)


def _make_sc_spmm(n_nodes, n_edges, d_feat):
    nw = NC * NS
    epw = n_edges // nw
    nchunk = epw // CHUNK
    nslice = n_nodes // ZROWS
    slices_per_sub = (nslice + NS - 1) // NS

    mesh = plsc.VectorSubcoreMesh(core_axis_name="c", subcore_axis_name="s")

    @functools.partial(
        pl.kernel,
        out_type=jax.ShapeDtypeStruct((NC, n_nodes, d_feat), jnp.float32),
        mesh=mesh,
        scratch_types=[
            pltpu.VMEM((CHUNK,), jnp.int32),
            pltpu.VMEM((CHUNK,), jnp.int32),
            pltpu.VMEM((CHUNK,), jnp.float32),
            pltpu.VMEM((CHUNK, d_feat), jnp.float32),
            pltpu.VMEM((ZROWS, d_feat), jnp.float32),
            pltpu.VMEM_SHARED((n_nodes, d_feat), jnp.float32),
            pltpu.SemaphoreType.DMA,
        ],
    )
    def spmm(emb_hbm, col_hbm, row_hbm, val_hbm, out_hbm,
             col_v, row_v, val_v, rows_v, zbuf, acc_sh, sem):
        c = lax.axis_index("c")
        s = lax.axis_index("s")

        zero16 = jnp.zeros((LANES,), jnp.float32)

        @pl.loop(0, ZROWS)
        def _(i):
            for j in range(d_feat // LANES):
                zbuf[i, pl.ds(j * LANES, LANES)] = zero16

        for k in range(slices_per_sub):
            sl_idx = s + NS * k

            @pl.when(sl_idx < nslice)
            def _():
                off = pl.multiple_of(sl_idx * ZROWS, 8)
                pltpu.sync_copy(zbuf, acc_sh.at[pl.ds(off, ZROWS)])
        plsc.subcore_barrier()

        ebase = (c * NS + s) * epw

        @pl.loop(0, nchunk)
        def _(g):
            off = ebase + g * CHUNK
            pltpu.sync_copy(col_hbm.at[pl.ds(off, CHUNK)], col_v)
            pltpu.sync_copy(row_hbm.at[pl.ds(off, CHUNK)], row_v)
            pltpu.sync_copy(val_hbm.at[pl.ds(off, CHUNK)], val_v)
            pltpu.async_copy(emb_hbm.at[col_v], rows_v, sem).wait()

            @pl.loop(0, CHUNK // LANES)
            def _(g16):
                vv = val_v[pl.ds(g16 * LANES, LANES)]

                @pl.loop(0, LANES)
                def _(i):
                    vb = _lane_broadcast(vv, i)
                    e = g16 * LANES + i
                    for j in range(d_feat // LANES):
                        sl = pl.ds(j * LANES, LANES)
                        rows_v[e, sl] = rows_v[e, sl] * vb

            pltpu.sync_copy(rows_v, acc_sh.at[row_v], add=True)

        plsc.subcore_barrier()
        for k in range(slices_per_sub):
            sl_idx = s + NS * k

            @pl.when(sl_idx < nslice)
            def _():
                off = pl.multiple_of(sl_idx * ZROWS, 8)
                pltpu.sync_copy(
                    acc_sh.at[pl.ds(off, ZROWS)],
                    out_hbm.at[c, pl.ds(off, ZROWS)],
                )

    return spmm


def _add_partials_body(a_ref, o_ref):
    o_ref[...] = a_ref[0] + a_ref[1]


def kernel(embeds, edge_index, adj_values):
    n_nodes, d_feat = embeds.shape
    edge_index = edge_index.astype(jnp.int32)
    row = edge_index[0]
    col = edge_index[1]
    n_edges = adj_values.shape[0]

    spmm = _make_sc_spmm(n_nodes, n_edges, d_feat)
    partials = spmm(embeds, col, row, adj_values)

    out = pl.pallas_call(
        _add_partials_body,
        out_shape=jax.ShapeDtypeStruct((n_nodes, d_feat), jnp.float32),
    )(partials)
    return out

# --- scband reference (transcript-rebuilt; emitter-appended) ---
"""Pipeline reference for scband-gcnlayer-2774548873854 (READ-ONLY COPY).

The authoritative reference and input builder live on the scoring server;
editing this copy changes nothing except your own understanding.
"""

import jax, jax.numpy as jnp
import numpy as np

N_NODES = 10000
N_EDGES = 320000
D_FEAT = 128

def setup_inputs(seed: int = 0) -> dict:
    key = jax.random.key(seed)
    k1, k2, k3 = jax.random.split(key, 3)
    embeds = jax.random.normal(k1, (N_NODES, D_FEAT), dtype=jnp.float32)
    edge_index = jax.random.randint(k2, (2, N_EDGES), 0, N_NODES, dtype=jnp.int64)
    adj_values = jax.random.uniform(k3, (N_EDGES,), dtype=jnp.float32)
    return {"embeds": embeds, "edge_index": edge_index, "adj_values": adj_values}

def reference(embeds, edge_index, adj_values):
    # torch.spmm(adj, embeds) where adj is a sparse [N, N] matrix in COO form:
    # row = edge_index[0] (output rows), col = edge_index[1] (gather rows), vals = adj_values.
    row = edge_index[0]
    col = edge_index[1]
    gathered = adj_values[:, None] * jnp.take(embeds, col, axis=0)
    out = jax.ops.segment_sum(gathered, row, num_segments=embeds.shape[0])
    return out

if __name__ == "__main__":
    import jax
    _d = setup_inputs()
    print(jax.jit(kernel)(*tuple(_d.values())))

</pallas_src>

<mosaic_0001>
#map = affine_map<(d0, d1) -> (0, 0)>
#map1 = affine_map<(d0, d1) -> (0)>
#map2 = affine_map<(d0, d1) -> (0, 0, 0)>
module attributes {stable_mosaic.version = 14 : i64} {
  func.func @spmm(%arg0: i32, %arg1: i32, %arg2: memref<10000x128xf32, #tpu.memory_space<hbm>>, %arg3: memref<320000xi32, #tpu.memory_space<hbm>>, %arg4: memref<320000xi32, #tpu.memory_space<hbm>>, %arg5: memref<320000xf32, #tpu.memory_space<hbm>>, %arg6: memref<2x10000x128xf32, #tpu.memory_space<hbm>>, %arg7: memref<80xi32, #tpu.memory_space<vmem>>, %arg8: memref<80xi32, #tpu.memory_space<vmem>>, %arg9: memref<80xf32, #tpu.memory_space<vmem>>, %arg10: memref<80x128xf32, #tpu.memory_space<vmem>>, %arg11: memref<200x128xf32, #tpu.memory_space<vmem>>, %arg12: memref<10000x128xf32, #tpu.memory_space<vmem_shared>>, %arg13: memref<!tpu.dma_semaphore, #tpu.memory_space<semaphore_mem>>) attributes {dimension_semantics = [#tpu.dimension_semantics<core_parallel>, #tpu.dimension_semantics<subcore_parallel>], iteration_bounds = array<i64: 2, 16>, scalar_prefetch = 0 : i64, scratch_operands = 7 : i64, tpu.core_type = #tpu.core_type<sc_vector_subcore>, window_params = [{transform_indices = #map}, {transform_indices = #map1}, {transform_indices = #map1}, {transform_indices = #map1}, {transform_indices = #map2}]} {
    %broadcast_in_dim3A = arith.constant 0.000000e+00 : f32
    %broadcast_in_dim3A_0 = vector.broadcast %broadcast_in_dim3A : f32 to vector<16xf32>
    %scan3A = arith.constant 0 : i32
    %scan3A_1 = arith.constant 200 : i32
    %scan3A_2 = arith.addi %scan3A, %scan3A_1 : i32
    %scan3A_3 = arith.constant 1 : i32
    scf.for %scan3A_67 = %scan3A to %scan3A_2 step %scan3A_3  : i32 {
      %mul3A_68 = arith.constant 1 : i32
      %mul3A_69 = arith.muli %scan3A_67, %mul3A_68 : i32
      %add3A_70 = arith.constant 0 : i32
      %add3A_71 = arith.addi %add3A_70, %mul3A_69 : i32
      %swap3A = arith.index_cast %add3A_71 : i32 to index
      %swap3A_72 = arith.constant 0 : index
      %swap3A_73 = tpu.vector_load %arg11[%swap3A, %swap3A_72] {strides = array<i32>} : memref<200x128xf32, #tpu.memory_space<vmem>>, vector<1x16xf32>,
      %swap3A_74 = vector.shape_cast %swap3A_73 : vector<1x16xf32> to vector<16xf32>
      %swap3A_75 = vector.shape_cast %broadcast_in_dim3A_0 : vector<16xf32> to vector<1x16xf32>
      tpu.vector_store %arg11[%swap3A, %swap3A_72], %swap3A_75 {strides = array<i32>} : memref<200x128xf32, #tpu.memory_space<vmem>>, vector<1x16xf32>,
      %swap3A_76 = arith.index_cast %add3A_71 : i32 to index
      %swap3A_77 = arith.constant 16 : index
      %swap3A_78 = tpu.vector_load %arg11[%swap3A_76, %swap3A_77] {strides = array<i32>} : memref<200x128xf32, #tpu.memory_space<vmem>>, vector<1x16xf32>,
      %swap3A_79 = vector.shape_cast %swap3A_78 : vector<1x16xf32> to vector<16xf32>
      %swap3A_80 = vector.shape_cast %broadcast_in_dim3A_0 : vector<16xf32> to vector<1x16xf32>
      tpu.vector_store %arg11[%swap3A_76, %swap3A_77], %swap3A_80 {strides = array<i32>} : memref<200x128xf32, #tpu.memory_space<vmem>>, vector<1x16xf32>,
      %swap3A_81 = arith.index_cast %add3A_71 : i32 to index
      %swap3A_82 = arith.constant 32 : index
      %swap3A_83 = tpu.vector_load %arg11[%swap3A_81, %swap3A_82] {strides = array<i32>} : memref<200x128xf32, #tpu.memory_space<vmem>>, vector<1x16xf32>,
      %swap3A_84 = vector.shape_cast %swap3A_83 : vector<1x16xf32> to vector<16xf32>
      %swap3A_85 = vector.shape_cast %broadcast_in_dim3A_0 : vector<16xf32> to vector<1x16xf32>
      tpu.vector_store %arg11[%swap3A_81, %swap3A_82], %swap3A_85 {strides = array<i32>} : memref<200x128xf32, #tpu.memory_space<vmem>>, vector<1x16xf32>,
      %swap3A_86 = arith.index_cast %add3A_71 : i32 to index
      %swap3A_87 = arith.constant 48 : index
      %swap3A_88 = tpu.vector_load %arg11[%swap3A_86, %swap3A_87] {strides = array<i32>} : memref<200x128xf32, #tpu.memory_space<vmem>>, vector<1x16xf32>,
      %swap3A_89 = vector.shape_cast %swap3A_88 : vector<1x16xf32> to vector<16xf32>
      %swap3A_90 = vector.shape_cast %broadcast_in_dim3A_0 : vector<16xf32> to vector<1x16xf32>
      tpu.vector_store %arg11[%swap3A_86, %swap3A_87], %swap3A_90 {strides = array<i32>} : memref<200x128xf32, #tpu.memory_space<vmem>>, vector<1x16xf32>,
      %swap3A_91 = arith.index_cast %add3A_71 : i32 to index
      %swap3A_92 = arith.constant 64 : index
      %swap3A_93 = tpu.vector_load %arg11[%swap3A_91, %swap3A_92] {strides = array<i32>} : memref<200x128xf32, #tpu.memory_space<vmem>>, vector<1x16xf32>,
      %swap3A_94 = vector.shape_cast %swap3A_93 : vector<1x16xf32> to vector<16xf32>
      %swap3A_95 = vector.shape_cast %broadcast_in_dim3A_0 : vector<16xf32> to vector<1x16xf32>
      tpu.vector_store %arg11[%swap3A_91, %swap3A_92], %swap3A_95 {strides = array<i32>} : memref<200x128xf32, #tpu.memory_space<vmem>>, vector<1x16xf32>,
      %swap3A_96 = arith.index_cast %add3A_71 : i32 to index
      %swap3A_97 = arith.constant 80 : index
      %swap3A_98 = tpu.vector_load %arg11[%swap3A_96, %swap3A_97] {strides = array<i32>} : memref<200x128xf32, #tpu.memory_space<vmem>>, vector<1x16xf32>,
      %swap3A_99 = vector.shape_cast %swap3A_98 : vector<1x16xf32> to vector<16xf32>
      %swap3A_100 = vector.shape_cast %broadcast_in_dim3A_0 : vector<16xf32> to vector<1x16xf32>
      tpu.vector_store %arg11[%swap3A_96, %swap3A_97], %swap3A_100 {strides = array<i32>} : memref<200x128xf32, #tpu.memory_space<vmem>>, vector<1x16xf32>,
      %swap3A_101 = arith.index_cast %add3A_71 : i32 to index
      %swap3A_102 = arith.constant 96 : index
      %swap3A_103 = tpu.vector_load %arg11[%swap3A_101, %swap3A_102] {strides = array<i32>} : memref<200x128xf32, #tpu.memory_space<vmem>>, vector<1x16xf32>,
      %swap3A_104 = vector.shape_cast %swap3A_103 : vector<1x16xf32> to vector<16xf32>
      %swap3A_105 = vector.shape_cast %broadcast_in_dim3A_0 : vector<16xf32> to vector<1x16xf32>
      tpu.vector_store %arg11[%swap3A_101, %swap3A_102], %swap3A_105 {strides = array<i32>} : memref<200x128xf32, #tpu.memory_space<vmem>>, vector<1x16xf32>,
      %swap3A_106 = arith.index_cast %add3A_71 : i32 to index
      %swap3A_107 = arith.constant 112 : index
      %swap3A_108 = tpu.vector_load %arg11[%swap3A_106, %swap3A_107] {strides = array<i32>} : memref<200x128xf32, #tpu.memory_space<vmem>>, vector<1x16xf32>,
      %swap3A_109 = vector.shape_cast %swap3A_108 : vector<1x16xf32> to vector<16xf32>
      %swap3A_110 = vector.shape_cast %broadcast_in_dim3A_0 : vector<16xf32> to vector<1x16xf32>
      tpu.vector_store %arg11[%swap3A_106, %swap3A_107], %swap3A_110 {strides = array<i32>} : memref<200x128xf32, #tpu.memory_space<vmem>>, vector<1x16xf32>,
    }
    %scan3A_4 = arith.constant 200 : i32
    %add3A = arith.constant 0 : i32
    %add3A_5 = arith.addi %arg1, %add3A : i32
    %lt3A = arith.constant 50 : i32
    %lt3A_6 = arith.cmpi slt, %add3A_5, %lt3A : i32
    %convert_element_type3A = arith.extui %lt3A_6 : i1 to i32
    %cond3A = arith.constant 0 : i32
    %cond3A_7 = arith.cmpi ne, %convert_element_type3A, %cond3A : i32
    scf.if %cond3A_7 {
      %mul3A_67 = arith.constant 200 : i32
      %mul3A_68 = arith.muli %add3A_5, %mul3A_67 : i32
      %multiple_of3A = tpu.assume_multiple %mul3A_68, 8 : i32
      "tpu.region"() ({
        %run_scoped3A = tpu.sem_alloc : memref<!tpu.dma_semaphore, #tpu.memory_space<semaphore_mem>>
        %dma_start3A = arith.constant 0 : i32
        %dma_start3A_69 = tpu.memref_slice %arg12[%multiple_of3A, %dma_start3A] : memref<10000x128xf32, #tpu.memory_space<vmem_shared>> -> memref<200x128xf32, #tpu.memory_space<vmem_shared>>
        %dma_start3A_70 = arith.constant 0 : i32
        %dma_start3A_71 = tpu.memref_slice %arg12[%multiple_of3A, %dma_start3A_70] : memref<10000x128xf32, #tpu.memory_space<vmem_shared>> -> memref<200x128xf32, #tpu.memory_space<vmem_shared>>
        tpu.enqueue_dma source(%arg11 : memref<200x128xf32, #tpu.memory_space<vmem>>) target(%dma_start3A_71 : memref<200x128xf32, #tpu.memory_space<vmem_shared>>) target_semaphore(%run_scoped3A : memref<!tpu.dma_semaphore, #tpu.memory_space<semaphore_mem>>)
        %dma_wait3A = arith.constant 0 : i32
        %dma_wait3A_72 = tpu.memref_slice %arg12[%multiple_of3A, %dma_wait3A] : memref<10000x128xf32, #tpu.memory_space<vmem_shared>> -> memref<200x128xf32, #tpu.memory_space<vmem_shared>>
        %dma_wait3A_73 = arith.constant 0 : i32
        %dma_wait3A_74 = tpu.memref_slice %arg12[%multiple_of3A, %dma_wait3A_73] : memref<10000x128xf32, #tpu.memory_space<vmem_shared>> -> memref<200x128xf32, #tpu.memory_space<vmem_shared>>
        tpu.wait_dma2 semaphore(%run_scoped3A : memref<!tpu.dma_semaphore, #tpu.memory_space<semaphore_mem>>) src(%arg11 : memref<200x128xf32, #tpu.memory_space<vmem>>) dst(%dma_wait3A_74 : memref<200x128xf32, #tpu.memory_space<vmem_shared>>)
        tpu.yield
      }) : () -> ()
    } else {
    }
    %add3A_8 = arith.constant 16 : i32
    %add3A_9 = arith.addi %arg1, %add3A_8 : i32
    %lt3A_10 = arith.constant 50 : i32
    %lt3A_11 = arith.cmpi slt, %add3A_9, %lt3A_10 : i32
    %convert_element_type3A_12 = arith.extui %lt3A_11 : i1 to i32
    %cond3A_13 = arith.constant 0 : i32
    %cond3A_14 = arith.cmpi ne, %convert_element_type3A_12, %cond3A_13 : i32
    scf.if %cond3A_14 {
      %mul3A_67 = arith.constant 200 : i32
      %mul3A_68 = arith.muli %add3A_9, %mul3A_67 : i32
      %multiple_of3A = tpu.assume_multiple %mul3A_68, 8 : i32
      "tpu.region"() ({
        %run_scoped3A = tpu.sem_alloc : memref<!tpu.dma_semaphore, #tpu.memory_space<semaphore_mem>>
        %dma_start3A = arith.constant 0 : i32
        %dma_start3A_69 = tpu.memref_slice %arg12[%multiple_of3A, %dma_start3A] : memref<10000x128xf32, #tpu.memory_space<vmem_shared>> -> memref<200x128xf32, #tpu.memory_space<vmem_shared>>
        %dma_start3A_70 = arith.constant 0 : i32
        %dma_start3A_71 = tpu.memref_slice %arg12[%multiple_of3A, %dma_start3A_70] : memref<10000x128xf32, #tpu.memory_space<vmem_shared>> -> memref<200x128xf32, #tpu.memory_space<vmem_shared>>
        tpu.enqueue_dma source(%arg11 : memref<200x128xf32, #tpu.memory_space<vmem>>) target(%dma_start3A_71 : memref<200x128xf32, #tpu.memory_space<vmem_shared>>) target_semaphore(%run_scoped3A : memref<!tpu.dma_semaphore, #tpu.memory_space<semaphore_mem>>)
        %dma_wait3A = arith.constant 0 : i32
        %dma_wait3A_72 = tpu.memref_slice %arg12[%multiple_of3A, %dma_wait3A] : memref<10000x128xf32, #tpu.memory_space<vmem_shared>> -> memref<200x128xf32, #tpu.memory_space<vmem_shared>>
        %dma_wait3A_73 = arith.constant 0 : i32
        %dma_wait3A_74 = tpu.memref_slice %arg12[%multiple_of3A, %dma_wait3A_73] : memref<10000x128xf32, #tpu.memory_space<vmem_shared>> -> memref<200x128xf32, #tpu.memory_space<vmem_shared>>
        tpu.wait_dma2 semaphore(%run_scoped3A : memref<!tpu.dma_semaphore, #tpu.memory_space<semaphore_mem>>) src(%arg11 : memref<200x128xf32, #tpu.memory_space<vmem>>) dst(%dma_wait3A_74 : memref<200x128xf32, #tpu.memory_space<vmem_shared>>)
        tpu.yield
      }) : () -> ()
    } else {
    }
    %add3A_15 = arith.constant 32 : i32
    %add3A_16 = arith.addi %arg1, %add3A_15 : i32
    %lt3A_17 = arith.constant 50 : i32
    %lt3A_18 = arith.cmpi slt, %add3A_16, %lt3A_17 : i32
    %convert_element_type3A_19 = arith.extui %lt3A_18 : i1 to i32
    %cond3A_20 = arith.constant 0 : i32
    %cond3A_21 = arith.cmpi ne, %convert_element_type3A_19, %cond3A_20 : i32
    scf.if %cond3A_21 {
      %mul3A_67 = arith.constant 200 : i32
      %mul3A_68 = arith.muli %add3A_16, %mul3A_67 : i32
      %multiple_of3A = tpu.assume_multiple %mul3A_68, 8 : i32
      "tpu.region"() ({
        %run_scoped3A = tpu.sem_alloc : memref<!tpu.dma_semaphore, #tpu.memory_space<semaphore_mem>>
        %dma_start3A = arith.constant 0 : i32
        %dma_start3A_69 = tpu.memref_slice %arg12[%multiple_of3A, %dma_start3A] : memref<10000x128xf32, #tpu.memory_space<vmem_shared>> -> memref<200x128xf32, #tpu.memory_space<vmem_shared>>
        %dma_start3A_70 = arith.constant 0 : i32
        %dma_start3A_71 = tpu.memref_slice %arg12[%multiple_of3A, %dma_start3A_70] : memref<10000x128xf32, #tpu.memory_space<vmem_shared>> -> memref<200x128xf32, #tpu.memory_space<vmem_shared>>
        tpu.enqueue_dma source(%arg11 : memref<200x128xf32, #tpu.memory_space<vmem>>) target(%dma_start3A_71 : memref<200x128xf32, #tpu.memory_space<vmem_shared>>) target_semaphore(%run_scoped3A : memref<!tpu.dma_semaphore, #tpu.memory_space<semaphore_mem>>)
        %dma_wait3A = arith.constant 0 : i32
        %dma_wait3A_72 = tpu.memref_slice %arg12[%multiple_of3A, %dma_wait3A] : memref<10000x128xf32, #tpu.memory_space<vmem_shared>> -> memref<200x128xf32, #tpu.memory_space<vmem_shared>>
        %dma_wait3A_73 = arith.constant 0 : i32
        %dma_wait3A_74 = tpu.memref_slice %arg12[%multiple_of3A, %dma_wait3A_73] : memref<10000x128xf32, #tpu.memory_space<vmem_shared>> -> memref<200x128xf32, #tpu.memory_space<vmem_shared>>
        tpu.wait_dma2 semaphore(%run_scoped3A : memref<!tpu.dma_semaphore, #tpu.memory_space<semaphore_mem>>) src(%arg11 : memref<200x128xf32, #tpu.memory_space<vmem>>) dst(%dma_wait3A_74 : memref<200x128xf32, #tpu.memory_space<vmem_shared>>)
        tpu.yield
      }) : () -> ()
    } else {
    }
    %add3A_22 = arith.constant 48 : i32
    %add3A_23 = arith.addi %arg1, %add3A_22 : i32
    %lt3A_24 = arith.constant 50 : i32
    %lt3A_25 = arith.cmpi slt, %add3A_23, %lt3A_24 : i32
    %convert_element_type3A_26 = arith.extui %lt3A_25 : i1 to i32
    %cond3A_27 = arith.constant 0 : i32
    %cond3A_28 = arith.cmpi ne, %convert_element_type3A_26, %cond3A_27 : i32
    scf.if %cond3A_28 {
      %mul3A_67 = arith.constant 200 : i32
      %mul3A_68 = arith.muli %add3A_23, %mul3A_67 : i32
      %multiple_of3A = tpu.assume_multiple %mul3A_68, 8 : i32
      "tpu.region"() ({
        %run_scoped3A = tpu.sem_alloc : memref<!tpu.dma_semaphore, #tpu.memory_space<semaphore_mem>>
        %dma_start3A = arith.constant 0 : i32
        %dma_start3A_69 = tpu.memref_slice %arg12[%multiple_of3A, %dma_start3A] : memref<10000x128xf32, #tpu.memory_space<vmem_shared>> -> memref<200x128xf32, #tpu.memory_space<vmem_shared>>
        %dma_start3A_70 = arith.constant 0 : i32
        %dma_start3A_71 = tpu.memref_slice %arg12[%multiple_of3A, %dma_start3A_70] : memref<10000x128xf32, #tpu.memory_space<vmem_shared>> -> memref<200x128xf32, #tpu.memory_space<vmem_shared>>
        tpu.enqueue_dma source(%arg11 : memref<200x128xf32, #tpu.memory_space<vmem>>) target(%dma_start3A_71 : memref<200x128xf32, #tpu.memory_space<vmem_shared>>) target_semaphore(%run_scoped3A : memref<!tpu.dma_semaphore, #tpu.memory_space<semaphore_mem>>)
        %dma_wait3A = arith.constant 0 : i32
        %dma_wait3A_72 = tpu.memref_slice %arg12[%multiple_of3A, %dma_wait3A] : memref<10000x128xf32, #tpu.memory_space<vmem_shared>> -> memref<200x128xf32, #tpu.memory_space<vmem_shared>>
        %dma_wait3A_73 = arith.constant 0 : i32
        %dma_wait3A_74 = tpu.memref_slice %arg12[%multiple_of3A, %dma_wait3A_73] : memref<10000x128xf32, #tpu.memory_space<vmem_shared>> -> memref<200x128xf32, #tpu.memory_space<vmem_shared>>
        tpu.wait_dma2 semaphore(%run_scoped3A : memref<!tpu.dma_semaphore, #tpu.memory_space<semaphore_mem>>) src(%arg11 : memref<200x128xf32, #tpu.memory_space<vmem>>) dst(%dma_wait3A_74 : memref<200x128xf32, #tpu.memory_space<vmem_shared>>)
        tpu.yield
      }) : () -> ()
    } else {
    }
    %barrier3A = arith.constant 0 : index
    tpu.barrier barrier_id(%barrier3A)
    %mul3A = arith.constant 16 : i32
    %mul3A_29 = arith.muli %arg0, %mul3A : i32
    %add3A_30 = arith.addi %mul3A_29, %arg1 : i32
    %mul3A_31 = arith.constant 10000 : i32
    %mul3A_32 = arith.muli %add3A_30, %mul3A_31 : i32
    %scan3A_33 = arith.constant 0 : i32
    %scan3A_34 = arith.constant 125 : i32
    %scan3A_35 = arith.addi %scan3A_33, %scan3A_34 : i32
    %scan3A_36 = arith.constant 1 : i32
    scf.for %scan3A_67 = %scan3A_33 to %scan3A_35 step %scan3A_36  : i32 {
      %mul3A_68 = arith.constant 1 : i32
      %mul3A_69 = arith.muli %scan3A_67, %mul3A_68 : i32
      %add3A_70 = arith.constant 0 : i32
      %add3A_71 = arith.addi %add3A_70, %mul3A_69 : i32
      %mul3A_72 = arith.constant 80 : i32
      %mul3A_73 = arith.muli %add3A_71, %mul3A_72 : i32
      %add3A_74 = arith.addi %mul3A_32, %mul3A_73 : i32
      "tpu.region"() ({
        %run_scoped3A = tpu.sem_alloc : memref<!tpu.dma_semaphore, #tpu.memory_space<semaphore_mem>>
        %dma_start3A_84 = tpu.memref_slice %arg3[%add3A_74] : memref<320000xi32, #tpu.memory_space<hbm>> -> memref<80xi32, #tpu.memory_space<hbm>>
        %dma_start3A_85 = tpu.memref_slice %arg3[%add3A_74] : memref<320000xi32, #tpu.memory_space<hbm>> -> memref<80xi32, #tpu.memory_space<hbm>>
        tpu.enqueue_dma source(%dma_start3A_85 : memref<80xi32, #tpu.memory_space<hbm>>) target(%arg7 : memref<80xi32, #tpu.memory_space<vmem>>) target_semaphore(%run_scoped3A : memref<!tpu.dma_semaphore, #tpu.memory_space<semaphore_mem>>)
        %dma_wait3A_86 = tpu.memref_slice %arg3[%add3A_74] : memref<320000xi32, #tpu.memory_space<hbm>> -> memref<80xi32, #tpu.memory_space<hbm>>
        %dma_wait3A_87 = tpu.memref_slice %arg3[%add3A_74] : memref<320000xi32, #tpu.memory_space<hbm>> -> memref<80xi32, #tpu.memory_space<hbm>>
        tpu.wait_dma2 semaphore(%run_scoped3A : memref<!tpu.dma_semaphore, #tpu.memory_space<semaphore_mem>>) src(%dma_wait3A_87 : memref<80xi32, #tpu.memory_space<hbm>>) dst(%arg7 : memref<80xi32, #tpu.memory_space<vmem>>)
        tpu.yield
      }) : () -> ()
      "tpu.region"() ({
        %run_scoped3A = tpu.sem_alloc : memref<!tpu.dma_semaphore, #tpu.memory_space<semaphore_mem>>
        %dma_start3A_84 = tpu.memref_slice %arg4[%add3A_74] : memref<320000xi32, #tpu.memory_space<hbm>> -> memref<80xi32, #tpu.memory_space<hbm>>
        %dma_start3A_85 = tpu.memref_slice %arg4[%add3A_74] : memref<320000xi32, #tpu.memory_space<hbm>> -> memref<80xi32, #tpu.memory_space<hbm>>
        tpu.enqueue_dma source(%dma_start3A_85 : memref<80xi32, #tpu.memory_space<hbm>>) target(%arg8 : memref<80xi32, #tpu.memory_space<vmem>>) target_semaphore(%run_scoped3A : memref<!tpu.dma_semaphore, #tpu.memory_space<semaphore_mem>>)
        %dma_wait3A_86 = tpu.memref_slice %arg4[%add3A_74] : memref<320000xi32, #tpu.memory_space<hbm>> -> memref<80xi32, #tpu.memory_space<hbm>>
        %dma_wait3A_87 = tpu.memref_slice %arg4[%add3A_74] : memref<320000xi32, #tpu.memory_space<hbm>> -> memref<80xi32, #tpu.memory_space<hbm>>
        tpu.wait_dma2 semaphore(%run_scoped3A : memref<!tpu.dma_semaphore, #tpu.memory_space<semaphore_mem>>) src(%dma_wait3A_87 : memref<80xi32, #tpu.memory_space<hbm>>) dst(%arg8 : memref<80xi32, #tpu.memory_space<vmem>>)
        tpu.yield
      }) : () -> ()
      "tpu.region"() ({
        %run_scoped3A = tpu.sem_alloc : memref<!tpu.dma_semaphore, #tpu.memory_space<semaphore_mem>>
        %dma_start3A_84 = tpu.memref_slice %arg5[%add3A_74] : memref<320000xf32, #tpu.memory_space<hbm>> -> memref<80xf32, #tpu.memory_space<hbm>>
        %dma_start3A_85 = tpu.memref_slice %arg5[%add3A_74] : memref<320000xf32, #tpu.memory_space<hbm>> -> memref<80xf32, #tpu.memory_space<hbm>>
        tpu.enqueue_dma source(%dma_start3A_85 : memref<80xf32, #tpu.memory_space<hbm>>) target(%arg9 : memref<80xf32, #tpu.memory_space<vmem>>) target_semaphore(%run_scoped3A : memref<!tpu.dma_semaphore, #tpu.memory_space<semaphore_mem>>)
        %dma_wait3A_86 = tpu.memref_slice %arg5[%add3A_74] : memref<320000xf32, #tpu.memory_space<hbm>> -> memref<80xf32, #tpu.memory_space<hbm>>
        %dma_wait3A_87 = tpu.memref_slice %arg5[%add3A_74] : memref<320000xf32, #tpu.memory_space<hbm>> -> memref<80xf32, #tpu.memory_space<hbm>>
        tpu.wait_dma2 semaphore(%run_scoped3A : memref<!tpu.dma_semaphore, #tpu.memory_space<semaphore_mem>>) src(%dma_wait3A_87 : memref<80xf32, #tpu.memory_space<hbm>>) dst(%arg9 : memref<80xf32, #tpu.memory_space<vmem>>)
        tpu.yield
      }) : () -> ()
      %dma_start3A = arith.constant 0 : i32
      %dma_start3A_75 = arith.constant 0 : i32
      %dma_start3A_76 = tpu.memref_slice %arg2[%dma_start3A, %dma_start3A_75] : memref<10000x128xf32, #tpu.memory_space<hbm>> -> memref<10000x128xf32, #tpu.memory_space<hbm>>
      tpu.enqueue_indirect_dma source(%dma_start3A_76 : memref<10000x128xf32, #tpu.memory_space<hbm>>) target(%arg10 : memref<80x128xf32, #tpu.memory_space<vmem>>) offsets(%arg7 : memref<80xi32, #tpu.memory_space<vmem>>) semaphore(%arg13 : memref<!tpu.dma_semaphore, #tpu.memory_space<semaphore_mem>>)
      %dma_wait3A = arith.constant 0 : i32
      %dma_wait3A_77 = arith.constant 0 : i32
      %dma_wait3A_78 = tpu.memref_slice %arg2[%dma_wait3A, %dma_wait3A_77] : memref<10000x128xf32, #tpu.memory_space<hbm>> -> memref<10000x128xf32, #tpu.memory_space<hbm>>
      tpu.wait_indirect_dma semaphore(%arg13 : memref<!tpu.dma_semaphore, #tpu.memory_space<semaphore_mem>>) src(%dma_wait3A_78 : memref<10000x128xf32, #tpu.memory_space<hbm>>) dst(%arg10 : memref<80x128xf32, #tpu.memory_space<vmem>>)
      %scan3A_79 = arith.constant 0 : i32
      %scan3A_80 = arith.constant 5 : i32
      %scan3A_81 = arith.addi %scan3A_79, %scan3A_80 : i32
      %scan3A_82 = arith.constant 1 : i32
      scf.for %scan3A_84 = %scan3A_79 to %scan3A_81 step %scan3A_82  : i32 {
        %mul3A_85 = arith.constant 1 : i32
        %mul3A_86 = arith.muli %scan3A_84, %mul3A_85 : i32
        %add3A_87 = arith.constant 0 : i32
        %add3A_88 = arith.addi %add3A_87, %mul3A_86 : i32
        %mul3A_89 = arith.constant 16 : i32
        %mul3A_90 = arith.muli %add3A_88, %mul3A_89 : i32
        %get3A = arith.index_cast %mul3A_90 : i32 to index
        %get3A_91 = tpu.vector_load %arg9[%get3A] {strides = array<i32>} : memref<80xf32, #tpu.memory_space<vmem>>, vector<16xf32>,
        %get3A_92 = vector.shape_cast %get3A_91 : vector<16xf32> to vector<16xf32>
        %scan3A_93 = arith.constant 0 : i32
        %scan3A_94 = arith.constant 16 : i32
        %scan3A_95 = arith.addi %scan3A_93, %scan3A_94 : i32
        %scan3A_96 = arith.constant 1 : i32
        scf.for %scan3A_98 = %scan3A_93 to %scan3A_95 step %scan3A_96  : i32 {
          %mul3A_99 = arith.constant 1 : i32
          %mul3A_100 = arith.muli %scan3A_98, %mul3A_99 : i32
          %add3A_101 = arith.constant 0 : i32
          %add3A_102 = arith.addi %add3A_101, %mul3A_100 : i32
          %broadcast_in_dim3A_103 = vector.broadcast %add3A_102 : i32 to vector<16xi32>
          %broadcast_in_dim3A_104 = vector.shape_cast %broadcast_in_dim3A_103 : vector<16xi32> to vector<16x1xi32>
          %gather3A = vector.shape_cast %broadcast_in_dim3A_104 : vector<16x1xi32> to vector<16xi32>
          %gather3A_105 = tpu.dynamic_gather %get3A_92[%gather3A] in [0] : vector<16xf32>, vector<16xi32> -> vector<16xf32>
          %mul3A_106 = arith.constant 16 : i32
          %mul3A_107 = arith.muli %add3A_88, %mul3A_106 : i32
          %add3A_108 = arith.addi %mul3A_107, %add3A_102 : i32
          %get3A_109 = arith.index_cast %add3A_108 : i32 to index
          %get3A_110 = arith.constant 0 : index
          %get3A_111 = tpu.vector_load %arg10[%get3A_109, %get3A_110] {strides = array<i32>} : memref<80x128xf32, #tpu.memory_space<vmem>>, vector<1x16xf32>,
          %get3A_112 = vector.shape_cast %get3A_111 : vector<1x16xf32> to vector<16xf32>
          %mul3A_113 = arith.mulf %get3A_112, %gather3A_105 : vector<16xf32>
          %swap3A = arith.index_cast %add3A_108 : i32 to index
          %swap3A_114 = arith.constant 0 : index
          %swap3A_115 = tpu.vector_load %arg10[%swap3A, %swap3A_114] {strides = array<i32>} : memref<80x128xf32, #tpu.memory_space<vmem>>, vector<1x16xf32>,
          %swap3A_116 = vector.shape_cast %swap3A_115 : vector<1x16xf32> to vector<16xf32>
          %swap3A_117 = vector.shape_cast %mul3A_113 : vector<16xf32> to vector<1x16xf32>
          tpu.vector_store %arg10[%swap3A, %swap3A_114], %swap3A_117 {strides = array<i32>} : memref<80x128xf32, #tpu.memory_space<vmem>>, vector<1x16xf32>,
          %get3A_118 = arith.index_cast %add3A_108 : i32 to index
          %get3A_119 = arith.constant 16 : index
          %get3A_120 = tpu.vector_load %arg10[%get3A_118, %get3A_119] {strides = array<i32>} : memref<80x128xf32, #tpu.memory_space<vmem>>, vector<1x16xf32>,
          %get3A_121 = vector.shape_cast %get3A_120 : vector<1x16xf32> to vector<16xf32>
          %mul3A_122 = arith.mulf %get3A_121, %gather3A_105 : vector<16xf32>
          %swap3A_123 = arith.index_cast %add3A_108 : i32 to index
          %swap3A_124 = arith.constant 16 : index
          %swap3A_125 = tpu.vector_load %arg10[%swap3A_123, %swap3A_124] {strides = array<i32>} : memref<80x128xf32, #tpu.memory_space<vmem>>, vector<1x16xf32>,
          %swap3A_126 = vector.shape_cast %swap3A_125 : vector<1x16xf32> to vector<16xf32>
          %swap3A_127 = vector.shape_cast %mul3A_122 : vector<16xf32> to vector<1x16xf32>
          tpu.vector_store %arg10[%swap3A_123, %swap3A_124], %swap3A_127 {strides = array<i32>} : memref<80x128xf32, #tpu.memory_space<vmem>>, vector<1x16xf32>,
          %get3A_128 = arith.index_cast %add3A_108 : i32 to index
          %get3A_129 = arith.constant 32 : index
          %get3A_130 = tpu.vector_load %arg10[%get3A_128, %get3A_129] {strides = array<i32>} : memref<80x128xf32, #tpu.memory_space<vmem>>, vector<1x16xf32>,
          %get3A_131 = vector.shape_cast %get3A_130 : vector<1x16xf32> to vector<16xf32>
          %mul3A_132 = arith.mulf %get3A_131, %gather3A_105 : vector<16xf32>
          %swap3A_133 = arith.index_cast %add3A_108 : i32 to index
          %swap3A_134 = arith.constant 32 : index
          %swap3A_135 = tpu.vector_load %arg10[%swap3A_133, %swap3A_134] {strides = array<i32>} : memref<80x128xf32, #tpu.memory_space<vmem>>, vector<1x16xf32>,
          %swap3A_136 = vector.shape_cast %swap3A_135 : vector<1x16xf32> to vector<16xf32>
          %swap3A_137 = vector.shape_cast %mul3A_132 : vector<16xf32> to vector<1x16xf32>
          tpu.vector_store %arg10[%swap3A_133, %swap3A_134], %swap3A_137 {strides = array<i32>} : memref<80x128xf32, #tpu.memory_space<vmem>>, vector<1x16xf32>,
          %get3A_138 = arith.index_cast %add3A_108 : i32 to index
          %get3A_139 = arith.constant 48 : index
          %get3A_140 = tpu.vector_load %arg10[%get3A_138, %get3A_139] {strides = array<i32>} : memref<80x128xf32, #tpu.memory_space<vmem>>, vector<1x16xf32>,
          %get3A_141 = vector.shape_cast %get3A_140 : vector<1x16xf32> to vector<16xf32>
          %mul3A_142 = arith.mulf %get3A_141, %gather3A_105 : vector<16xf32>
          %swap3A_143 = arith.index_cast %add3A_108 : i32 to index
          %swap3A_144 = arith.constant 48 : index
          %swap3A_145 = tpu.vector_load %arg10[%swap3A_143, %swap3A_144] {strides = array<i32>} : memref<80x128xf32, #tpu.memory_space<vmem>>, vector<1x16xf32>,
          %swap3A_146 = vector.shape_cast %swap3A_145 : vector<1x16xf32> to vector<16xf32>
          %swap3A_147 = vector.shape_cast %mul3A_142 : vector<16xf32> to vector<1x16xf32>
          tpu.vector_store %arg10[%swap3A_143, %swap3A_144], %swap3A_147 {strides = array<i32>} : memref<80x128xf32, #tpu.memory_space<vmem>>, vector<1x16xf32>,
          %get3A_148 = arith.index_cast %add3A_108 : i32 to index
          %get3A_149 = arith.constant 64 : index
          %get3A_150 = tpu.vector_load %arg10[%get3A_148, %get3A_149] {strides = array<i32>} : memref<80x128xf32, #tpu.memory_space<vmem>>, vector<1x16xf32>,
          %get3A_151 = vector.shape_cast %get3A_150 : vector<1x16xf32> to vector<16xf32>
          %mul3A_152 = arith.mulf %get3A_151, %gather3A_105 : vector<16xf32>
          %swap3A_153 = arith.index_cast %add3A_108 : i32 to index
          %swap3A_154 = arith.constant 64 : index
          %swap3A_155 = tpu.vector_load %arg10[%swap3A_153, %swap3A_154] {strides = array<i32>} : memref<80x128xf32, #tpu.memory_space<vmem>>, vector<1x16xf32>,
          %swap3A_156 = vector.shape_cast %swap3A_155 : vector<1x16xf32> to vector<16xf32>
          %swap3A_157 = vector.shape_cast %mul3A_152 : vector<16xf32> to vector<1x16xf32>
          tpu.vector_store %arg10[%swap3A_153, %swap3A_154], %swap3A_157 {strides = array<i32>} : memref<80x128xf32, #tpu.memory_space<vmem>>, vector<1x16xf32>,
          %get3A_158 = arith.index_cast %add3A_108 : i32 to index
          %get3A_159 = arith.constant 80 : index
          %get3A_160 = tpu.vector_load %arg10[%get3A_158, %get3A_159] {strides = array<i32>} : memref<80x128xf32, #tpu.memory_space<vmem>>, vector<1x16xf32>,
          %get3A_161 = vector.shape_cast %get3A_160 : vector<1x16xf32> to vector<16xf32>
          %mul3A_162 = arith.mulf %get3A_161, %gather3A_105 : vector<16xf32>
          %swap3A_163 = arith.index_cast %add3A_108 : i32 to index
          %swap3A_164 = arith.constant 80 : index
          %swap3A_165 = tpu.vector_load %arg10[%swap3A_163, %swap3A_164] {strides = array<i32>} : memref<80x128xf32, #tpu.memory_space<vmem>>, vector<1x16xf32>,
          %swap3A_166 = vector.shape_cast %swap3A_165 : vector<1x16xf32> to vector<16xf32>
          %swap3A_167 = vector.shape_cast %mul3A_162 : vector<16xf32> to vector<1x16xf32>
          tpu.vector_store %arg10[%swap3A_163, %swap3A_164], %swap3A_167 {strides = array<i32>} : memref<80x128xf32, #tpu.memory_space<vmem>>, vector<1x16xf32>,
          %get3A_168 = arith.index_cast %add3A_108 : i32 to index
          %get3A_169 = arith.constant 96 : index
          %get3A_170 = tpu.vector_load %arg10[%get3A_168, %get3A_169] {strides = array<i32>} : memref<80x128xf32, #tpu.memory_space<vmem>>, vector<1x16xf32>,
          %get3A_171 = vector.shape_cast %get3A_170 : vector<1x16xf32> to vector<16xf32>
          %mul3A_172 = arith.mulf %get3A_171, %gather3A_105 : vector<16xf32>
          %swap3A_173 = arith.index_cast %add3A_108 : i32 to index
          %swap3A_174 = arith.constant 96 : index
          %swap3A_175 = tpu.vector_load %arg10[%swap3A_173, %swap3A_174] {strides = array<i32>} : memref<80x128xf32, #tpu.memory_space<vmem>>, vector<1x16xf32>,
          %swap3A_176 = vector.shape_cast %swap3A_175 : vector<1x16xf32> to vector<16xf32>
          %swap3A_177 = vector.shape_cast %mul3A_172 : vector<16xf32> to vector<1x16xf32>
          tpu.vector_store %arg10[%swap3A_173, %swap3A_174], %swap3A_177 {strides = array<i32>} : memref<80x128xf32, #tpu.memory_space<vmem>>, vector<1x16xf32>,
          %get3A_178 = arith.index_cast %add3A_108 : i32 to index
          %get3A_179 = arith.constant 112 : index
          %get3A_180 = tpu.vector_load %arg10[%get3A_178, %get3A_179] {strides = array<i32>} : memref<80x128xf32, #tpu.memory_space<vmem>>, vector<1x16xf32>,
          %get3A_181 = vector.shape_cast %get3A_180 : vector<1x16xf32> to vector<16xf32>
          %mul3A_182 = arith.mulf %get3A_181, %gather3A_105 : vector<16xf32>
          %swap3A_183 = arith.index_cast %add3A_108 : i32 to index
          %swap3A_184 = arith.constant 112 : index
          %swap3A_185 = tpu.vector_load %arg10[%swap3A_183, %swap3A_184] {strides = array<i32>} : memref<80x128xf32, #tpu.memory_space<vmem>>, vector<1x16xf32>,
          %swap3A_186 = vector.shape_cast %swap3A_185 : vector<1x16xf32> to vector<16xf32>
          %swap3A_187 = vector.shape_cast %mul3A_182 : vector<16xf32> to vector<1x16xf32>
          tpu.vector_store %arg10[%swap3A_183, %swap3A_184], %swap3A_187 {strides = array<i32>} : memref<80x128xf32, #tpu.memory_space<vmem>>, vector<1x16xf32>,
        }
        %scan3A_97 = arith.constant 16 : i32
      }
      %scan3A_83 = arith.constant 5 : i32
      "tpu.region"() ({
        %run_scoped3A = tpu.sem_alloc : memref<!tpu.dma_semaphore, #tpu.memory_space<semaphore_mem>>
        %dma_start3A_84 = arith.constant 0 : i32
        %dma_start3A_85 = arith.constant 0 : i32
        %dma_start3A_86 = tpu.memref_slice %arg12[%dma_start3A_84, %dma_start3A_85] : memref<10000x128xf32, #tpu.memory_space<vmem_shared>> -> memref<10000x128xf32, #tpu.memory_space<vmem_shared>>
        tpu.enqueue_indirect_dma source(%arg10 : memref<80x128xf32, #tpu.memory_space<vmem>>) target(%dma_start3A_86 : memref<10000x128xf32, #tpu.memory_space<vmem_shared>>) offsets(%arg8 : memref<80xi32, #tpu.memory_space<vmem>>) semaphore(%run_scoped3A : memref<!tpu.dma_semaphore, #tpu.memory_space<semaphore_mem>>) {add = true}
        %dma_wait3A_87 = arith.constant 0 : i32
        %dma_wait3A_88 = arith.constant 0 : i32
        %dma_wait3A_89 = tpu.memref_slice %arg12[%dma_wait3A_87, %dma_wait3A_88] : memref<10000x128xf32, #tpu.memory_space<vmem_shared>> -> memref<10000x128xf32, #tpu.memory_space<vmem_shared>>
        tpu.wait_indirect_dma semaphore(%run_scoped3A : memref<!tpu.dma_semaphore, #tpu.memory_space<semaphore_mem>>) src(%arg10 : memref<80x128xf32, #tpu.memory_space<vmem>>) dst(%dma_wait3A_89 : memref<10000x128xf32, #tpu.memory_space<vmem_shared>>)
        tpu.yield
      }) : () -> ()
    }
    %scan3A_37 = arith.constant 125 : i32
    %barrier3A_38 = arith.constant 0 : index
    tpu.barrier barrier_id(%barrier3A_38)
    %add3A_39 = arith.constant 0 : i32
    %add3A_40 = arith.addi %arg1, %add3A_39 : i32
    %lt3A_41 = arith.constant 50 : i32
    %lt3A_42 = arith.cmpi slt, %add3A_40, %lt3A_41 : i32
    %convert_element_type3A_43 = arith.extui %lt3A_42 : i1 to i32
    %cond3A_44 = arith.constant 0 : i32
    %cond3A_45 = arith.cmpi ne, %convert_element_type3A_43, %cond3A_44 : i32
    scf.if %cond3A_45 {
      %mul3A_67 = arith.constant 200 : i32
      %mul3A_68 = arith.muli %add3A_40, %mul3A_67 : i32
      %multiple_of3A = tpu.assume_multiple %mul3A_68, 8 : i32
      "tpu.region"() ({
        %run_scoped3A = tpu.sem_alloc : memref<!tpu.dma_semaphore, #tpu.memory_space<semaphore_mem>>
        %dma_start3A = arith.constant 0 : i32
        %dma_start3A_69 = tpu.memref_slice %arg6[%arg0, %multiple_of3A, %dma_start3A] : memref<2x10000x128xf32, #tpu.memory_space<hbm>> -> memref<1x200x128xf32, #tpu.memory_space<hbm>>
        %dma_start3A_70 = tpu.memref_squeeze %dma_start3A_69 : memref<1x200x128xf32, #tpu.memory_space<hbm>> -> memref<200x128xf32, #tpu.memory_space<hbm>>
        %dma_start3A_71 = arith.constant 0 : i32
        %dma_start3A_72 = tpu.memref_slice %arg12[%multiple_of3A, %dma_start3A_71] : memref<10000x128xf32, #tpu.memory_space<vmem_shared>> -> memref<200x128xf32, #tpu.memory_space<vmem_shared>>
        tpu.enqueue_dma source(%dma_start3A_72 : memref<200x128xf32, #tpu.memory_space<vmem_shared>>) target(%dma_start3A_70 : memref<200x128xf32, #tpu.memory_space<hbm>>) target_semaphore(%run_scoped3A : memref<!tpu.dma_semaphore, #tpu.memory_space<semaphore_mem>>)
        %dma_wait3A = arith.constant 0 : i32
        %dma_wait3A_73 = tpu.memref_slice %arg6[%arg0, %multiple_of3A, %dma_wait3A] : memref<2x10000x128xf32, #tpu.memory_space<hbm>> -> memref<1x200x128xf32, #tpu.memory_space<hbm>>
        %dma_wait3A_74 = tpu.memref_squeeze %dma_wait3A_73 : memref<1x200x128xf32, #tpu.memory_space<hbm>> -> memref<200x128xf32, #tpu.memory_space<hbm>>
        %dma_wait3A_75 = arith.constant 0 : i32
        %dma_wait3A_76 = tpu.memref_slice %arg12[%multiple_of3A, %dma_wait3A_75] : memref<10000x128xf32, #tpu.memory_space<vmem_shared>> -> memref<200x128xf32, #tpu.memory_space<vmem_shared>>
        tpu.wait_dma2 semaphore(%run_scoped3A : memref<!tpu.dma_semaphore, #tpu.memory_space<semaphore_mem>>) src(%dma_wait3A_76 : memref<200x128xf32, #tpu.memory_space<vmem_shared>>) dst(%dma_wait3A_74 : memref<200x128xf32, #tpu.memory_space<hbm>>)
        tpu.yield
      }) : () -> ()
    } else {
    }
    %add3A_46 = arith.constant 16 : i32
    %add3A_47 = arith.addi %arg1, %add3A_46 : i32
    %lt3A_48 = arith.constant 50 : i32
    %lt3A_49 = arith.cmpi slt, %add3A_47, %lt3A_48 : i32
    %convert_element_type3A_50 = arith.extui %lt3A_49 : i1 to i32
    %cond3A_51 = arith.constant 0 : i32
    %cond3A_52 = arith.cmpi ne, %convert_element_type3A_50, %cond3A_51 : i32
    scf.if %cond3A_52 {
      %mul3A_67 = arith.constant 200 : i32
      %mul3A_68 = arith.muli %add3A_47, %mul3A_67 : i32
      %multiple_of3A = tpu.assume_multiple %mul3A_68, 8 : i32
      "tpu.region"() ({
        %run_scoped3A = tpu.sem_alloc : memref<!tpu.dma_semaphore, #tpu.memory_space<semaphore_mem>>
        %dma_start3A = arith.constant 0 : i32
        %dma_start3A_69 = tpu.memref_slice %arg6[%arg0, %multiple_of3A, %dma_start3A] : memref<2x10000x128xf32, #tpu.memory_space<hbm>> -> memref<1x200x128xf32, #tpu.memory_space<hbm>>
        %dma_start3A_70 = tpu.memref_squeeze %dma_start3A_69 : memref<1x200x128xf32, #tpu.memory_space<hbm>> -> memref<200x128xf32, #tpu.memory_space<hbm>>
        %dma_start3A_71 = arith.constant 0 : i32
        %dma_start3A_72 = tpu.memref_slice %arg12[%multiple_of3A, %dma_start3A_71] : memref<10000x128xf32, #tpu.memory_space<vmem_shared>> -> memref<200x128xf32, #tpu.memory_space<vmem_shared>>
        tpu.enqueue_dma source(%dma_start3A_72 : memref<200x128xf32, #tpu.memory_space<vmem_shared>>) target(%dma_start3A_70 : memref<200x128xf32, #tpu.memory_space<hbm>>) target_semaphore(%run_scoped3A : memref<!tpu.dma_semaphore, #tpu.memory_space<semaphore_mem>>)
        %dma_wait3A = arith.constant 0 : i32
        %dma_wait3A_73 = tpu.memref_slice %arg6[%arg0, %multiple_of3A, %dma_wait3A] : memref<2x10000x128xf32, #tpu.memory_space<hbm>> -> memref<1x200x128xf32, #tpu.memory_space<hbm>>
        %dma_wait3A_74 = tpu.memref_squeeze %dma_wait3A_73 : memref<1x200x128xf32, #tpu.memory_space<hbm>> -> memref<200x128xf32, #tpu.memory_space<hbm>>
        %dma_wait3A_75 = arith.constant 0 : i32
        %dma_wait3A_76 = tpu.memref_slice %arg12[%multiple_of3A, %dma_wait3A_75] : memref<10000x128xf32, #tpu.memory_space<vmem_shared>> -> memref<200x128xf32, #tpu.memory_space<vmem_shared>>
        tpu.wait_dma2 semaphore(%run_scoped3A : memref<!tpu.dma_semaphore, #tpu.memory_space<semaphore_mem>>) src(%dma_wait3A_76 : memref<200x128xf32, #tpu.memory_space<vmem_shared>>) dst(%dma_wait3A_74 : memref<200x128xf32, #tpu.memory_space<hbm>>)
        tpu.yield
      }) : () -> ()
    } else {
    }
    %add3A_53 = arith.constant 32 : i32
    %add3A_54 = arith.addi %arg1, %add3A_53 : i32
    %lt3A_55 = arith.constant 50 : i32
    %lt3A_56 = arith.cmpi slt, %add3A_54, %lt3A_55 : i32
    %convert_element_type3A_57 = arith.extui %lt3A_56 : i1 to i32
    %cond3A_58 = arith.constant 0 : i32
    %cond3A_59 = arith.cmpi ne, %convert_element_type3A_57, %cond3A_58 : i32
    scf.if %cond3A_59 {
      %mul3A_67 = arith.constant 200 : i32
      %mul3A_68 = arith.muli %add3A_54, %mul3A_67 : i32
      %multiple_of3A = tpu.assume_multiple %mul3A_68, 8 : i32
      "tpu.region"() ({
        %run_scoped3A = tpu.sem_alloc : memref<!tpu.dma_semaphore, #tpu.memory_space<semaphore_mem>>
        %dma_start3A = arith.constant 0 : i32
        %dma_start3A_69 = tpu.memref_slice %arg6[%arg0, %multiple_of3A, %dma_start3A] : memref<2x10000x128xf32, #tpu.memory_space<hbm>> -> memref<1x200x128xf32, #tpu.memory_space<hbm>>
        %dma_start3A_70 = tpu.memref_squeeze %dma_start3A_69 : memref<1x200x128xf32, #tpu.memory_space<hbm>> -> memref<200x128xf32, #tpu.memory_space<hbm>>
        %dma_start3A_71 = arith.constant 0 : i32
        %dma_start3A_72 = tpu.memref_slice %arg12[%multiple_of3A, %dma_start3A_71] : memref<10000x128xf32, #tpu.memory_space<vmem_shared>> -> memref<200x128xf32, #tpu.memory_space<vmem_shared>>
        tpu.enqueue_dma source(%dma_start3A_72 : memref<200x128xf32, #tpu.memory_space<vmem_shared>>) target(%dma_start3A_70 : memref<200x128xf32, #tpu.memory_space<hbm>>) target_semaphore(%run_scoped3A : memref<!tpu.dma_semaphore, #tpu.memory_space<semaphore_mem>>)
        %dma_wait3A = arith.constant 0 : i32
        %dma_wait3A_73 = tpu.memref_slice %arg6[%arg0, %multiple_of3A, %dma_wait3A] : memref<2x10000x128xf32, #tpu.memory_space<hbm>> -> memref<1x200x128xf32, #tpu.memory_space<hbm>>
        %dma_wait3A_74 = tpu.memref_squeeze %dma_wait3A_73 : memref<1x200x128xf32, #tpu.memory_space<hbm>> -> memref<200x128xf32, #tpu.memory_space<hbm>>
        %dma_wait3A_75 = arith.constant 0 : i32
        %dma_wait3A_76 = tpu.memref_slice %arg12[%multiple_of3A, %dma_wait3A_75] : memref<10000x128xf32, #tpu.memory_space<vmem_shared>> -> memref<200x128xf32, #tpu.memory_space<vmem_shared>>
        tpu.wait_dma2 semaphore(%run_scoped3A : memref<!tpu.dma_semaphore, #tpu.memory_space<semaphore_mem>>) src(%dma_wait3A_76 : memref<200x128xf32, #tpu.memory_space<vmem_shared>>) dst(%dma_wait3A_74 : memref<200x128xf32, #tpu.memory_space<hbm>>)
        tpu.yield
      }) : () -> ()
    } else {
    }
    %add3A_60 = arith.constant 48 : i32
    %add3A_61 = arith.addi %arg1, %add3A_60 : i32
    %lt3A_62 = arith.constant 50 : i32
    %lt3A_63 = arith.cmpi slt, %add3A_61, %lt3A_62 : i32
    %convert_element_type3A_64 = arith.extui %lt3A_63 : i1 to i32
    %cond3A_65 = arith.constant 0 : i32
    %cond3A_66 = arith.cmpi ne, %convert_element_type3A_64, %cond3A_65 : i32
    scf.if %cond3A_66 {
      %mul3A_67 = arith.constant 200 : i32
      %mul3A_68 = arith.muli %add3A_61, %mul3A_67 : i32
      %multiple_of3A = tpu.assume_multiple %mul3A_68, 8 : i32
      "tpu.region"() ({
        %run_scoped3A = tpu.sem_alloc : memref<!tpu.dma_semaphore, #tpu.memory_space<semaphore_mem>>
        %dma_start3A = arith.constant 0 : i32
        %dma_start3A_69 = tpu.memref_slice %arg6[%arg0, %multiple_of3A, %dma_start3A] : memref<2x10000x128xf32, #tpu.memory_space<hbm>> -> memref<1x200x128xf32, #tpu.memory_space<hbm>>
        %dma_start3A_70 = tpu.memref_squeeze %dma_start3A_69 : memref<1x200x128xf32, #tpu.memory_space<hbm>> -> memref<200x128xf32, #tpu.memory_space<hbm>>
        %dma_start3A_71 = arith.constant 0 : i32
        %dma_start3A_72 = tpu.memref_slice %arg12[%multiple_of3A, %dma_start3A_71] : memref<10000x128xf32, #tpu.memory_space<vmem_shared>> -> memref<200x128xf32, #tpu.memory_space<vmem_shared>>
        tpu.enqueue_dma source(%dma_start3A_72 : memref<200x128xf32, #tpu.memory_space<vmem_shared>>) target(%dma_start3A_70 : memref<200x128xf32, #tpu.memory_space<hbm>>) target_semaphore(%run_scoped3A : memref<!tpu.dma_semaphore, #tpu.memory_space<semaphore_mem>>)
        %dma_wait3A = arith.constant 0 : i32
        %dma_wait3A_73 = tpu.memref_slice %arg6[%arg0, %multiple_of3A, %dma_wait3A] : memref<2x10000x128xf32, #tpu.memory_space<hbm>> -> memref<1x200x128xf32, #tpu.memory_space<hbm>>
        %dma_wait3A_74 = tpu.memref_squeeze %dma_wait3A_73 : memref<1x200x128xf32, #tpu.memory_space<hbm>> -> memref<200x128xf32, #tpu.memory_space<hbm>>
        %dma_wait3A_75 = arith.constant 0 : i32
        %dma_wait3A_76 = tpu.memref_slice %arg12[%multiple_of3A, %dma_wait3A_75] : memref<10000x128xf32, #tpu.memory_space<vmem_shared>> -> memref<200x128xf32, #tpu.memory_space<vmem_shared>>
        tpu.wait_dma2 semaphore(%run_scoped3A : memref<!tpu.dma_semaphore, #tpu.memory_space<semaphore_mem>>) src(%dma_wait3A_76 : memref<200x128xf32, #tpu.memory_space<vmem_shared>>) dst(%dma_wait3A_74 : memref<200x128xf32, #tpu.memory_space<hbm>>)
        tpu.yield
      }) : () -> ()
    } else {
    }
    return
  }
}

module attributes {stable_mosaic.version = 14 : i64} {
  func.func @_add_partials_body(%arg0: memref<2x10000x128xf32, #tpu.memory_space<vmem>>, %arg1: memref<10000x128xf32, #tpu.memory_space<vmem>>) attributes {dimension_semantics = [], scalar_prefetch = 0 : i64, scratch_operands = 0 : i64, tpu.core_type = #tpu.core_type<tc>} {
    %get3A = arith.constant 0 : index
    %get3A_0 = arith.constant 0 : index
    %get3A_1 = arith.constant 0 : index
    %get3A_2 = vector.load %arg0[%get3A, %get3A_0, %get3A_1] : memref<2x10000x128xf32, #tpu.memory_space<vmem>>, vector<1x10000x128xf32>
    %get3A_3 = vector.shape_cast %get3A_2 : vector<1x10000x128xf32> to vector<10000x128xf32>
    %get3A_4 = arith.constant 1 : index
    %get3A_5 = arith.constant 0 : index
    %get3A_6 = arith.constant 0 : index
    %get3A_7 = vector.load %arg0[%get3A_4, %get3A_5, %get3A_6] : memref<2x10000x128xf32, #tpu.memory_space<vmem>>, vector<1x10000x128xf32>
    %get3A_8 = vector.shape_cast %get3A_7 : vector<1x10000x128xf32> to vector<10000x128xf32>
    %add3A = arith.addf %get3A_3, %get3A_8 : vector<10000x128xf32>
    %swap3A = arith.constant 0 : index
    %swap3A_9 = arith.constant 0 : index
    %swap3A_10 = vector.load %arg1[%swap3A, %swap3A_9] : memref<10000x128xf32, #tpu.memory_space<vmem>>, vector<10000x128xf32>
    tpu.vector_store %arg1[%swap3A, %swap3A_9], %add3A {strides = array<i32>} : memref<10000x128xf32, #tpu.memory_space<vmem>>, vector<10000x128xf32>,
    return
  }
}

</mosaic_0001>

<sc_bundles>
// kernel: kernel.4.cloned.1.call-start
scs
__scs_entry_jumppad:
0x0: {  	(pc) =	sbr.rel $0x88, $3  }
0x1: {  	(tag) =	ssettag $0x0;
	lr =	simm.s32 $0x1  }
0x2: {  	[smem:$0x3F9E] =	sst lr;
	_ =	strace $0xD0000000  }
0x3: {  	_ = 	snop  }
0x4: {  	_ = 	snop  }
0x5: {  	_ = 	snop  }
0x6: {  	_ = 	snop  }
0x7: {  	_ = 	snop  }
__scs_overlays_trampoline_lowered:
0x8: {  	[smem:$0x3FAD] =	sst s0  }
0x9: {  	[smem:$0x3FAE] =	sst s1  }
0xa: {  	[smem:$0x3FAF] =	sst s2  }
0xb: {  	[smem:$0x3FB0] =	sst s3  }
0xc: {  	[smem:$0x3FB1] =	sst s4  }
0xd: {  	[smem:$0x3FB2] =	sst s5  }
0xe: {  	[smem:$0x3FB3] =	sst s6  }
0xf: {  	[smem:$0x3FB4] =	sst s7  }
0x10: {  	[smem:$0x3FB5] =	sst s8  }
0x11: {  	[smem:$0x3FB6] =	sst s9;
	s0 =	simm.s32 @!p0 $0x0  }
0x12: {  	s1 =	sld [smem:$0x3F9C];
	s0 =	simm.s32 @p0 $0x1  }
0x13: {  	[smem:$0x3FB7] =	sst s0;
	s0 =	simm.s32 @!p1 $0x0  }
0x14: {  	s2 =	sld [smem:$0x3F9B];
	s0 =	simm.s32 @p1 $0x1  }
0x15: {  	[smem:$0x3FB8] =	sst s0;
	s0 =	simm.s32 @!p2 $0x0  }
0x16: {  	s3 =	sld [smem:$0x3FDB];
	s0 =	simm.s32 @p2 $0x1  }
0x17: {  	s4 =	simm.s32 $0x1BF5;
	[smem:$0x3FBA] =	sst s0  }
0x18: {  	s0 =	sld [smem:$0x3F9D];
	_ =	swait.ge [sflag:s4], $0x0  }
0x19: {  	s7 =	sld [smem:$0x3F9E]  }
0x1a: {  	s8 =	sadd.s32 $0xFFFFE003, lr  }
0x1b: {  	s9 =	sadd.s32 $0xFFFFFEF7, lr;
	s5 =	simm.s32 $0xFFFFFFFF;
	p2 =	slt.u32 s8, $0xFFFFF086  }
0x1c: {  	p1 =	slt.u32 s9, $0xF7A;
	s5 =	simm.s32 @!p2 $0x0  }
0x1d: {  	s5 =	simm.s32 @p1 $0x1;
	p0 =	seq.s32 s7, s2  }
0x1e: {  	s7 =	smul.u32 @!p0 $0xF7A, s2;
	p2 =	seq.s32 @!p0 s5, $0x0  }
0x1f: {  	s9 =	smul.u32 $0xF7A, s1;
	s8 =	simm.s32 @!p0 $0x1BF5;
	p2 =	por !p2, p0  }
0x20: {  	[sflag:s8] =	ssyncset.s32 @!p0 $0xFFFFF086;
	s6 =	sadd.s32 @!p0 s3, s7;
	s7 =	simm.s32 @!p0 $0x108  }
0x21: {  	s3 =	sadd.s32 s3, s9;
	s6 =	sadd.s32 @!p0 $0x88, s6;
	s7 =	simm.s32 @p2 $0x1082  }
0x22: {  	[simem:s7], [sflag:s8] =	dma.local @!p0 [hbm:s6], $0xF7A  }
0x23: {  	s9 =	sor.u32 $0xD0000000, s2;
	s6 =	simm.s32 $0x108;
	_ =	swait.ge @!p0 [sflag:s8], $0x0  }
0x24: {  	s3 =	sadd.s32 $0x88, s3;
	s6 =	simm.s32 @!p1 $0x1082;
	[sflag:s4] =	ssyncset.s32 $0xFFFFF086  }
0x25: {  	[simem:s6], [sflag:s4] =	dma.local [hbm:s3], $0xF7A  }
0x26: {  	[smem:$0x3F9E] =	sst s1;
	(tag) =	ssettag s2;
	_ =	strace s9  }
0x27: {  	s1 =	sld [smem:$0x3FAE]  }
0x28: {  	s2 =	sld [smem:$0x3FAF]  }
0x29: {  	s4 =	sld [smem:$0x3FB1]  }
0x2a: {  	p0 =	seq.s32 s5, $0x0;
	s5 =	sld [smem:$0x3FB2]  }
0x2b: {  	s6 =	sld [smem:$0x3FB3]  }
0x2c: {  	s7 =	sld [smem:$0x3FB4]  }
0x2d: {  	s3 =	simm.s32 $0x108;
	s8 =	sld [smem:$0x3FB5]  }
0x2e: {  	s3 =	simm.s32 @!p0 $0x1082;
	s9 =	sld [smem:$0x3FB6]  }
0x2f: {  	lr =	sadd.s32 s0, s3;
	s0 =	sld [smem:$0x3FAD]  }
0x30: {  	s3 =	sld [smem:$0x3FB0]  }
0x31: {  	[smem:$0x3FB9] =	sst s10  }
0x32: {  	s10 =	sld [smem:$0x3FB7];
	_ =	sdelay $0x3  }
0x33: {  	p0 =	seq.s32 s10, $0x1;
	s10 =	sld [smem:$0x3FB9];
	_ =	sdelay $0x3  }
0x34: {  	[smem:$0x3FB9] =	sst s10  }
0x35: {  	s10 =	sld [smem:$0x3FB8];
	_ =	sdelay $0x3  }
0x36: {  	p1 =	seq.s32 s10, $0x1;
	s10 =	sld [smem:$0x3FB9];
	_ =	sdelay $0x3  }
0x37: {  	[smem:$0x3FB9] =	sst s10  }
0x38: {  	s10 =	sld [smem:$0x3FBA]  }
0x39: {  	_ = 	snop;
	(pc) =	sbr.ind lr, $3  }
0x3a: {  	_ = 	snop  }
0x3b: {  	_ = 	snop  }
0x3c: {  	p2 =	seq.s32 s10, $0x1;
	s10 =	sld [smem:$0x3FB9]  }
0x3d: {  	_ =	shalt  }
0x3e: {  	_ =	shalt  }
0x3f: {  	_ =	shalt  }
0x40: {  	_ =	shalt  }
0x41: {  	_ =	shalt  }
0x42: {  	_ =	shalt  }
0x43: {  	_ =	shalt  }
0x44: {  	_ =	shalt  }
0x45: {  	_ =	shalt  }
0x46: {  	_ =	shalt  }
0x47: {  	_ =	shalt  }
0x48: {  	_ =	shalt  }
0x49: {  	_ =	shalt  }
0x4a: {  	_ =	shalt  }
0x4b: {  	_ =	shalt  }
0x4c: {  	_ =	shalt  }
0x4d: {  	_ =	shalt  }
0x4e: {  	_ =	shalt  }
0x4f: {  	_ =	shalt  }
0x50: {  	_ =	shalt  }
0x51: {  	_ =	shalt  }
0x52: {  	_ =	shalt  }
0x53: {  	_ =	shalt  }
0x54: {  	_ =	shalt  }
0x55: {  	_ =	shalt  }
0x56: {  	_ =	shalt  }
0x57: {  	_ =	shalt  }
0x58: {  	_ =	shalt  }
0x59: {  	_ =	shalt  }
0x5a: {  	_ =	shalt  }
0x5b: {  	_ =	shalt  }
0x5c: {  	_ =	shalt  }
0x5d: {  	_ =	shalt  }
0x5e: {  	_ =	shalt  }
0x5f: {  	_ =	shalt  }
0x60: {  	_ =	shalt  }
0x61: {  	_ =	shalt  }
0x62: {  	_ =	shalt  }
0x63: {  	_ =	shalt  }
0x64: {  	_ =	shalt  }
0x65: {  	_ =	shalt  }
0x66: {  	_ =	shalt  }
0x67: {  	_ =	shalt  }
0x68: {  	_ =	shalt  }
0x69: {  	_ =	shalt  }
0x6a: {  	_ =	shalt  }
0x6b: {  	_ =	shalt  }
0x6c: {  	_ =	shalt  }
0x6d: {  	_ =	shalt  }
0x6e: {  	_ =	shalt  }
0x6f: {  	_ =	shalt  }
0x70: {  	_ =	shalt  }
0x71: {  	_ =	shalt  }
0x72: {  	_ =	shalt  }
0x73: {  	_ =	shalt  }
0x74: {  	_ =	shalt  }
0x75: {  	_ =	shalt  }
0x76: {  	_ =	shalt  }
0x77: {  	_ =	shalt  }
0x78: {  	_ =	shalt  }
0x79: {  	_ =	shalt  }
0x7a: {  	_ =	shalt  }
0x7b: {  	_ =	shalt  }
0x7c: {  	_ =	shalt  }
0x7d: {  	_ =	shalt  }
0x7e: {  	_ =	shalt  }
0x7f: {  	_ =	shalt  }
0x80: {  	_ =	shalt  }
0x81: {  	_ =	shalt  }
0x82: {  	_ =	shalt  }
0x83: {  	_ =	shalt  }
0x84: {  	_ =	shalt  }
0x85: {  	_ =	shalt  }
0x86: {  	_ =	shalt  }
0x87: {  	_ =	shalt  }
.Lfunc_end0:
.L_simem_size_0:
called_computation_lowered:
.L_overlay_start_0:
0x88: {  	s2 =	sld [smem:$0x3FD9]  }
0x89: {  	s3 =	sld [smem:$0x3FFE];
	_ =	sdelay $0x1  }
0x8a: {  	s1 =	srdreg.scid  }
0x8b: {  	s0 =	sand.u32 $0x1, s1  }
0x8c: {  	s17 =	sshll.u32 s0, $0xA;
	s2 =	sadd.s32 s3, s2  }
0x8d: {  	s2 =	sadd.s32 s2, s17  }
0x8e: {  	[smem:$0x3FC5] =	sst s2  }
0x8f: {  	_ = 	snop  }
0x90: {  	s2 =	sld [smem:$0x3FC9]  }
0x91: {  	s18 =	sld [smem:$0x3FC7]  }
0x92: {  	s4 =	sld [smem:$0x3FD0];
	(tm) =	ssettm $0x1  }
0x93: {  	s5 =	sld [smem:$0x3FFB];
	_ =	sdelay $0x3  }
0x94: {  	_ =	strace s5  }
0x95: {  	s5 =	sld [smem:$0x3FFC];
	_ =	sdelay $0x3  }
0x96: {  	_ =	strace s5  }
0x97: {  	s5 =	sld [smem:$0x3FFD];
	_ =	sdelay $0x3  }
0x98: {  	_ =	strace s5  }
0x99: {  	_ =	strace $0x8FFFFFFF  }
0x9a: {  	s19 =	sld [smem:$0x3FDB];
	_ =	sdelay $0x1  }
0x9b: {  	s6 =	simm.s32 $_scs_section_size  }
0x9c: {  	s7 =	simm.s32 $_size__tile_overlayer_lowered;
	s8 =	simm.s32 $_tile_overlayer_lowered  }
0x9d: {  	s22 =	simm.s32 $0x1BFF;
	s21 =	sshll.u32 s8, $0x1;
	s5 =	sadd.s32 s6, s19  }
0x9e: {  	s9 =	simm.s32 $0x0;
	s20 =	sshll.u32 s7, $0x1;
	s7 =	sadd.s32 s21, s5  }
0x9f: {  	[timem:s9], [sflag:s22] =	dma.local [hbm:s7], s20  }
0xa0: {  	_ =	swait.ge [sflag:s22], s20  }
0xa1: {  	s6 =	ssub.s32 $0x0, s20;
	[sflag:s22] =	ssyncset.done $0x0  }
0xa2: {  	[sflag:s22] =	ssyncadd.s32 s6;
	_ =	sdelay $0x1  }
0xa3: {  	s23 =	simm.s32 $0x1B8B  }
0xa4: {  	_ =	swait.ge [sflag:s23], $0x1  }
0xa5: {  	[sflag:s23] =	ssyncset.done $0x0  }
0xa6: {  	s25 =	simm.s32 $0x1B8E;
	s24 =	sld [smem:$0x3FFE];
	[sflag:s23] =	ssyncadd.s32 $0xFFFFFFFF  }
0xa7: {  	s26 =	simm.s32 $execute0_lowered;
	[smem:$0x3FD2] =	sst s25  }
0xa8: {  	s7 =	sshll.u32 s26, $0x1;
	_ =	strace $0x80000046;
	[dreg:$0x1] =	wrdreg $0xFFFFFFFF  }
0xa9: {  	s28 =	simm.s32 $_size_execute0_lowered;
	s5 =	sadd.s32 s5, s7;
	[dreg:$0x0] =	wrdreg $0x0  }
0xaa: {  	s7 =	sshll.u32 s28, $0x1;
	[dreg:$0x2] =	wrdreg s5  }
0xab: {  	[dreg:$0x3] =	wrdreg s7  }
0xac: {  	[dreg:$0x4] =	wrdreg $0xC0  }
0xad: {  	_ =	task [dreg:s9], $0x5FFFF  }
0xae: {  	[dreg:$0x1] =	wrdreg $0xFFFFFFFF  }
0xaf: {  	[dreg:$0x0] =	wrdreg $0x60  }
0xb0: {  	[dreg:$0x2] =	wrdreg s2  }
0xb1: {  	[dreg:$0x3] =	wrdreg s24  }
0xb2: {  	[dreg:$0x4] =	wrdreg s4  }
0xb3: {  	[dreg:$0x5] =	wrdreg s18  }
0xb4: {  	[dreg:$0x6] =	wrdreg $0x8D800  }
0xb5: {  	[dreg:$0x7] =	wrdreg $0x9  }
0xb6: {  	_ =	task.clear_ibuf [dreg:s9], $0x8FFFF;
	_ =	strace $0x90000046  }
0xb7: {  	s29 =	simm.s32 $0x9;
	_ =	strace $0x80000048  }
0xb8: {  	_ =	swait.ge [sflag:s29], $0x1  }
0xb9: {  	[sflag:s29] =	ssyncadd.s32 $0xFFFFFFFF  }
0xba: {  	_ =	strace $0x90000048  }
0xbb: {  	_ =	sfence  }
0xbc: {  	s30 =	sld [smem:$0x0];
	_ =	sdelay $0x2  }
0xbd: {  	s31 =	sshll.u32 s1, $0xD;
	s1 =	sshrl.u32 s1, $0x2  }
0xbe: {  	s3 =	sand.u32 $0x4000, s31;
	s1 =	sadd.s32 s1, s30  }
0xbf: {  	s0 =	sor.u32 s3, s0;
	s1 =	sshll.u32 s1, $0x11  }
0xc0: {  	s0 =	sor.u32 s1, s0  }
0xc1: {  	s0 =	sadd.s32 $0x8F2B, s0  }
0xc2: {  	[sflag:s0] =	ssyncadd.remote.s32 $0x1  }
0xc3: {  	_ =	sfence.sel $0xFFFF  }
0xc4: {  	[dreg:$0x0] =	wrdreg $0xFFFFFFFF;
	(pc) =	sbr.abs _section_cstart, $3  }
0xc5: {  	[dreg:$0x1] =	wrdreg $0xFFFFFFFF  }
0xc6: {  	_ =	task.clear_ibuf [dreg:s9], $0x2FFFF;
	_ =	strace $0x9FFFFFFF  }
0xc7: {  	(tm) =	ssettm $0x7FFFFFFF  }
tec
execute0_lowered:
.L_overlay_start_1:
0x0: {  	(tag) =	ssettag $0x1  }
0x1: {  	s1 =	rddreg [dreg:$0x0]  }
0x2: {  	s2 =	rddreg [dreg:$0x1];
	s7 =	stileid.u32  }
0x3: {  	s3 =	rddreg [dreg:$0x2];
	s22 =	smul.u32 $0x19000, s7  }
0x4: {  	s4 =	rddreg [dreg:$0x3];
	s12 =	sor.u32 $0x10, s7;
	s26 =	smul.u32 $0x6400, s7  }
0x5: {  	s5 =	rddreg [dreg:$0x4];
	s13 =	sor.u32 $0x20, s7;
	s10 =	smul.u32 $0x19000, s12  }
0x6: {  	s8 =	srdreg.scid;
	s16 =	sor.u32 $0x30, s7;
	s15 =	smul.u32 $0x19000, s13  }
0x7: {  	s6 =	simm.s32 $0x0;
	s11 =	sand.u32 $0x1, s8;
	s23 =	smul.u32 $0x19000, s16  }
0x8: {  	s21 =	simm.s32 $0x100;
	[smem:$0x7FF] =	sst s6;
	s18 =	smul.u32 $0x138800, s11  }
0x9: {  	s0 =	sadd.s32 $0x9E00, s2;
	p0 =	sgt.u32 s7, $0x1;
	s19 =	smul.u32 $0x6400, s12  }
0xa: {  	_ =	strace $0x80000047;
	s9 =	ssub.s32 $0x2, s11;
	s29 =	smul.u32 $0x6400, s13  }
0xb: {  	s11 =	sshll.u32 s11, $0x4;
	s16 =	smul.u32 $0x6400, s16;
	s14 =	sshrl.u32 s9, $0x1  }
0xc: {  	s8 =	sshrl.u32 s22, $0x2;
	s30 =	sor.u32 s7, s11;
	s22 =	simm.s32 $0x50  }
0xd: {  	s17 =	ssub.s32 s9, s14;
	s8 =	sadd.s32 s8, s5;
	s24 =	sshrl.u32 s10, $0x2  }
0xe: {  	s25 =	sshrl.u32 s15, $0x2;
	s14 =	sshrl.u32 s23, $0x2;
	s28 =	sadd.s32 s26, s18  }
0xf: {  	s12 =	smul.u32 $0x2710, s30;
	s31 =	sadd.s32 s18, s19;
	s15 =	sadd.s32 s18, s29  }
0x10: {  	s16 =	sadd.s32 s18, s16;
	s18 =	simm.s32 $0x2980;
	s19 =	simm.s32 $0x2  }
0x11: {  	s23 =	simm.s32 $0x180;
	s9 =	sadd.s32 s24, s5;
	s10 =	sadd.s32 s25, s5  }
0x12: {  	s20 =	sshrl.u32 s28, $0x3;
	s11 =	sadd.s32 s14, s5;
	s14 =	sshrl.u32 s31, $0x3  }
0x13: {  	s15 =	sshrl.u32 s15, $0x3;
	s16 =	sshrl.u32 s16, $0x3;
	s17 =	smax.u32 s17, $0x1  }
0x14: {  	s24 =	simm.s32 $0x1;
	s13 =	sadd.s32 s0, s20;
	s14 =	sadd.s32 s0, s14  }
0x15: {  	v0 =	vimm.f32 $0.0e+00;
	s15 =	sadd.s32 s0, s15;
	s16 =	sadd.s32 s0, s16;
	s20 =	simm.s32 $0x80  }
.LBB2_1:
0x16: {  	s0 =	simm.s32 $0x0;
	s25 =	simm.s32 $0x200  }
.LBB2_2:
0x17: {  	p1 =	sne.s32 s25, $0x18E00;
	[tilespmem:s0+$0x29F0] =	vst v0  }
0x18: {  	[tilespmem:s0+$0x2980] =	vst v0  }
0x19: {  	[tilespmem:s0+$0x2990] =	vst v0  }
.Ltmp0:
0x1a: {  	[tilespmem:s0+$0x29A0] =	vst v0;
	(pc) =	sbr.rel @p1 .LBB2_2-.Ltmp0, $4  }
0x1b: {  	[tilespmem:s0+$0x29B0] =	vst v0  }
0x1c: {  	[tilespmem:s0+$0x29C0] =	vst v0  }
0x1d: {  	[tilespmem:s0+$0x29D0] =	vst v0  }
0x1e: {  	[tilespmem:s0+$0x29E0] =	vst v0;
	s0 =	sshra.s32 s25, $0x2;
	s25 =	sadd.s32 $0x200, s25  }
0x1f: {  	[tilespmem:s0+$0x29F0] =	vst v0  }
0x20: {  	[tilespmem:s0+$0x2980] =	vst v0  }
0x21: {  	[tilespmem:s0+$0x2990] =	vst v0  }
0x22: {  	[tilespmem:s0+$0x29A0] =	vst v0  }
0x23: {  	[tilespmem:s0+$0x29B0] =	vst v0  }
0x24: {  	[tilespmem:s0+$0x29C0] =	vst v0  }
0x25: {  	[tilespmem:s0+$0x29D0] =	vst v0  }
0x26: {  	[tilespmem:s0+$0x29E0] =	vst v0  }
0x27: {  	[spmem:s8] =	stream.linear.scatter [tilespmem:s18], [sflag:$0x2], $0x6400, $0x38;
	[tilespmem:$0x1C600] =	vst v63  }
0x28: {  	_ =	swait.ge [sflag:s19], $0x6400  }
0x29: {  	[sflag:s19] =	ssyncset.done $0x0  }
0x2a: {  	[sflag:s19] =	ssyncadd.s32 $0xFFFF9C00  }
0x2b: {  	[spmem:s9] =	stream.linear.scatter [tilespmem:s18], [sflag:$0x2], $0x6400, $0x38;
	[tilespmem:$0x1C600] =	vst v63  }
0x2c: {  	_ =	swait.ge [sflag:s19], $0x6400  }
0x2d: {  	[sflag:s19] =	ssyncset.done $0x0  }
0x2e: {  	[sflag:s19] =	ssyncadd.s32 $0xFFFF9C00  }
0x2f: {  	[spmem:s10] =	stream.linear.scatter [tilespmem:s18], [sflag:$0x2], $0x6400, $0x38;
	[tilespmem:$0x1C600] =	vst v63  }
0x30: {  	_ =	swait.ge [sflag:s19], $0x6400  }
0x31: {  	[sflag:s19] =	ssyncset.done $0x0  }
0x32: {  	s0 =	simm.s32 @!p0 $0x2980;
	[sflag:s19] =	ssyncadd.s32 $0xFFFF9C00  }
0x33: {  	[spmem:s11] =	stream.linear.scatter @!p0 [tilespmem:s0], [sflag:$0x2], $0x6400, $0x38;
	[tilespmem:$0x1C600] =	vst v63  }
0x34: {  	s0 =	simm.s32 @!p0 $0x2  }
0x35: {  	_ =	swait.ge @!p0 [sflag:s0], $0x6400  }
0x36: {  	[sflag:s0] =	ssyncset.done @!p0 $0x0  }
0x37: {  	[sflag:s0] =	ssyncadd.s32 @!p0 $0xFFFF9C00  }
0x38: {  	s25 =	simm.s32 $0x0;
	s26 =	simm.s32 $0x0;
	[bflag:$0x0] =	sbarrier.arrive $0xFFFF  }
.LBB2_4:
0x39: {  	s0 =	smul.u32 $0x50, s26;
	_ =	sdelay $0x1  }
0x3a: {  	s0 =	sadd.s32 s12, s0  }
0x3b: {  	s0 =	sshrl.u32 s0, $0x3  }
0x3c: {  	s28 =	sadd.s32 s2, s0  }
0x3d: {  	[tilespmem:s25], [sflag:$0x2] =	stream.linear.gather [hbm4b:s28+s25], $0x50, $0x38;
	[tilespmem:$0x1C600] =	vst v63  }
0x3e: {  	_ =	swait.ge [sflag:s19], $0x50  }
0x3f: {  	[sflag:s19] =	ssyncset.done $0x0  }
0x40: {  	s31 =	sadd.s32 s3, s0;
	[sflag:s19] =	ssyncadd.s32 $0xFFFFFFB0  }
0x41: {  	[tilespmem:s20], [sflag:$0x2] =	stream.linear.gather [hbm4b:s31+s25], $0x50, $0x38;
	[tilespmem:$0x1C600] =	vst v63  }
0x42: {  	_ =	swait.ge [sflag:s19], $0x50  }
0x43: {  	[sflag:s19] =	ssyncset.done $0x0  }
0x44: {  	s0 =	sadd.s32 s4, s0;
	[sflag:s19] =	ssyncadd.s32 $0xFFFFFFB0  }
0x45: {  	[tilespmem:s21], [sflag:$0x2] =	stream.linear.gather [hbm4b:s0+s25], $0x50, $0x38;
	[tilespmem:$0x1C600] =	vst v63  }
0x46: {  	_ =	swait.ge [sflag:s19], $0x50  }
0x47: {  	[sflag:s19] =	ssyncset.done $0x0  }
0x48: {  	[sflag:s19] =	ssyncadd.s32 $0xFFFFFFB0  }
0x49: {  	[tilespmem:s23], [sflag:$0x1] =	stream.indirect.gather [hbm4b:s1+s22], $0x80, s25, s22, $0xb8;
	[tilespmem:$0x1C600] =	vst v63  }
0x4a: {  	_ =	swait.ge [sflag:s24], $0x2800  }
0x4b: {  	[sflag:s24] =	ssyncset.done $0x0  }
0x4c: {  	s29 =	simm.s32 $0x0;
	s0 =	simm.s32 $0x1C0;
	[sflag:s24] =	ssyncadd.s32 $0xFFFFD800  }
.LBB2_5:
0x4d: {  	s28 =	sshll.u32 s29, $0x4  }
0x4e: {  	v1 =	vld [tilespmem:s28+$0x100];
	_ =	sdelay $0x1  }
0x4f: {  	v6 =	vld [tilespmem:s0+$0xFFFFFFC0]  }
0x50: {  	v8 =	vld [tilespmem:s0+$0xFFFFFFD0];
	s28 =	simm.s32 $0x0  }
0x51: {  	v7 =	vld [tilespmem:s0+$0xFFFFFFE0];
	v2 =	vmov s28  }
0x52: {  	v4 =	vld [tilespmem:s0+$0x0];
	v2 =	vperm.xlane v1, v2  }
0x53: {  	v5 =	vld [tilespmem:s0+$0x10]  }
0x54: {  	v3 =	vld [tilespmem:s0+$0x20];
	v9 =	vmul.f32 v6, v2  }
0x55: {  	s31 =	simm.s32 $0x1;
	s30 =	smov.u32 s0;
	s28 =	smov.u32 s0;
	v8 =	vmul.f32 v8, v2;
	v6 =	vld [tilespmem:s0+$0x30]  }
.LBB2_6:
0x56: {  	p1 =	sne.s32 s31, $0xF;
	[tilespmem:s30+$0xFFFFFFC0] =	vst v9;
	v7 =	vmul.f32 v7, v2;
	v9 =	vld [tilespmem:s30+$0xFFFFFFF0];
	s28 =	sadd.s32 $0x80, s28  }
0x57: {  	v10 =	vld [tilespmem:s28+$0xFFFFFFC0];
	[tilespmem:s30+$0xFFFFFFD0] =	vst v8;
	v4 =	vmul.f32 v4, v2  }
0x58: {  	v8 =	vld [tilespmem:s28+$0xFFFFFFD0];
	[tilespmem:s30+$0xFFFFFFE0] =	vst v7;
	v5 =	vmul.f32 v5, v2  }
.Ltmp1:
0x59: {  	v11 =	vmov s31;
	v7 =	vld [tilespmem:s28+$0xFFFFFFE0];
	[tilespmem:s30+$0x0] =	vst v4;
	v3 =	vmul.f32 v3, v2;
	(pc) =	sbr.rel @p1 .LBB2_6-.Ltmp1, $4  }
0x5a: {  	v11 =	vperm.xlane v1, v11;
	v4 =	vld [tilespmem:s28+$0x0];
	[tilespmem:s30+$0x10] =	vst v5;
	v6 =	vmul.f32 v6, v2  }
0x5b: {  	v5 =	vld [tilespmem:s28+$0x10];
	v12 =	vmul.f32 v9, v2;
	[tilespmem:s30+$0x20] =	vst v3  }
0x5c: {  	v2 =	vmov v11;
	v9 =	vmul.f32 v10, v11;
	v3 =	vld [tilespmem:s28+$0x20];
	[tilespmem:s30+$0x30] =	vst v6  }
0x5d: {  	s31 =	sadd.s32 $0x1, s31;
	v8 =	vmul.f32 v8, v2;
	v6 =	vld [tilespmem:s28+$0x30];
	[tilespmem:s30+$0xFFFFFFF0] =	vst v12;
	s30 =	smov.u32 s28  }
0x5e: {  	[tilespmem:s30+$0xFFFFFFC0] =	vst v9;
	v1 =	vmul.f32 v7, v2;
	v63 =	vld [tilespmem:s30+$0xFFFFFFF0]  }
0x5f: {  	s29 =	sadd.s32 $0x1, s29;
	[tilespmem:s30+$0xFFFFFFD0] =	vst v8;
	v4 =	vmul.f32 v4, v2  }
0x60: {  	p1 =	sne.s32 s29, $0x5;
	[tilespmem:s30+$0xFFFFFFE0] =	vst v1;
	v1 =	vmul.f32 v5, v2  }
.Ltmp2:
0x61: {  	[tilespmem:s30+$0x0] =	vst v4;
	v3 =	vmul.f32 v3, v2;
	(pc) =	sbr.rel @p1 .LBB2_5-.Ltmp2, $4  }
0x62: {  	[tilespmem:s30+$0x10] =	vst v1;
	v1 =	vmul.f32 v6, v2  }
0x63: {  	v2 =	vmul.f32 v63, v2;
	[tilespmem:s30+$0x20] =	vst v3  }
0x64: {  	[tilespmem:s30+$0x30] =	vst v1  }
0x65: {  	s0 =	sadd.s32 $0x800, s0;
	[tilespmem:s30+$0xFFFFFFF0] =	vst v2  }
0x66: {  	s26 =	sadd.s32 $0x1, s26  }
0x67: {  	p1 =	sne.s32 s26, $0x7D  }
.Ltmp3:
0x68: {  	_ = 	snop;
	(pc) =	sbr.rel @p1 .LBB2_4-.Ltmp3, $4  }
0x69: {  	[spmem:s5] =	stream.indirect.scatter.add.f32 [tilespmem:s23], [sflag:$0x2], $0x80, s20, s22, $0xb8;
	[tilespmem:$0x1C600] =	vst v63  }
0x6a: {  	_ =	swait.ge [sflag:s19], $0x2800  }
0x6b: {  	[sflag:s19] =	ssyncset.done $0x0  }
0x6c: {  	[sflag:s19] =	ssyncadd.s32 $0xFFFFD800  }
0x6d: {  	s0 =	sshll.u32 s7, $0x6  }
0x6e: {  	[bflag:$0x0] =	sbarrier.arrive $0xFFFF;
	s25 =	sshrl.u32 s8, $0x3;
	s0 =	sor.u32 $0x1C02, s0  }
0x6f: {  	[hbm:s13], [sflag:s0] =	dma.local [spmem:s25], $0xC80  }
0x70: {  	_ =	swait.ge [sflag:s19], $0xC80  }
0x71: {  	[sflag:s19] =	ssyncset.done $0x0  }
0x72: {  	s30 =	sshrl.u32 s9, $0x3;
	[sflag:s19] =	ssyncadd.s32 $0xFFFFF380  }
0x73: {  	[hbm:s14], [sflag:s0] =	dma.local [spmem:s30], $0xC80  }
0x74: {  	_ =	swait.ge [sflag:s19], $0xC80  }
0x75: {  	[sflag:s19] =	ssyncset.done $0x0  }
0x76: {  	s31 =	sshrl.u32 s10, $0x3;
	[sflag:s19] =	ssyncadd.s32 $0xFFFFF380  }
0x77: {  	[hbm:s15], [sflag:s0] =	dma.local [spmem:s31], $0xC80  }
0x78: {  	_ =	swait.ge [sflag:s19], $0xC80  }
0x79: {  	s6 =	sadd.s32 $0x1, s6;
	[sflag:s19] =	ssyncset.done $0x0  }
0x7a: {  	p1 =	sne.s32 s6, s17;
	s25 =	sshrl.u32 @!p0 s11, $0x3;
	[sflag:s19] =	ssyncadd.s32 $0xFFFFF380  }
0x7b: {  	[hbm:s16], [sflag:s0] =	dma.local @!p0 [spmem:s25], $0xC80  }
.Ltmp4:
0x7c: {  	_ = 	snop;
	(pc) =	sbr.rel @p1 .LBB2_1-.Ltmp4, $4  }
0x7d: {  	s0 =	simm.s32 @!p0 $0x2  }
0x7e: {  	_ =	swait.ge @!p0 [sflag:s0], $0xC80  }
0x7f: {  	[sflag:s0] =	ssyncset.done @!p0 $0x0  }
0x80: {  	[sflag:s0] =	ssyncadd.s32 @!p0 $0xFFFFF380  }
0x81: {  	_ =	sfence.sel $0x180000  }
0x82: {  	[bflag:$0x0] =	sbarrier.arrive $0xFFFF  }
0x83: {  	_ =	strace $0x90000047  }
0x84: {  	[bflag:$0x2] =	sbarrier.arrive $0xFFFF  }
0x85: {  	p0 =	sne.s32 s7, $0x0;
	s0 =	rddreg [dreg:$0x5]  }
0x86: {  	s0 =	sadd.s32 @!p0 $0x100000, s0  }
0x87: {  	[sflag:s0] =	ssyncadd.tile.s32 @!p0 $0x1;
	_ =	shalt  }
.Lfunc_end2:
_tile_overlayer_lowered:
.L_overlay_start_2:
0x88: {  	(tag) =	ssettag $0x2  }
0x89: {  	s0 =	rddreg [dreg:$0x0];
	s2 =	stileid.u32  }
0x8a: {  	s1 =	rddreg [dreg:$0x1];
	p0 =	sne.s32 s2, $0x0  }
0x8b: {  	s3 =	rddreg [dreg:$0x2];
	[bflag:$0x3] =	sbarrier.arrive $0xFFFF;
	s2 =	simm.s32 @!p0 $0x1C02  }
0x8c: {  	[timem:s3], [sflag:s2] =	dma.local @!p0 [hbm:s0], s1  }
0x8d: {  	s0 =	simm.s32 @!p0 $0x2  }
0x8e: {  	_ =	swait.ge @!p0 [sflag:s0], s1  }
0x8f: {  	s1 =	ssub.s32 @!p0 $0x0, s1;
	[sflag:s0] =	ssyncset.done @!p0 $0x0  }
0x90: {  	[sflag:s0] =	ssyncadd.s32 @!p0 s1  }
0x91: {  	[bflag:$0x3] =	sbarrier.arrive $0xFFFF  }
0x92: {  	_ =	shalt  }

</sc_bundles>
